<compile_context>
chip_gen: v7x
topology: tpu7x:2x2x1
jax: 0.10.2.dev20260603
libtpu: 0.0.44.dev20260713+nightly
codegen_flags: <defaults>
</compile_context>

<pallas_src>
import functools

import jax
import jax.numpy as jnp
from jax import lax
from jax.experimental import pallas as pl
from jax.experimental.pallas import tpu as pltpu
from jax.experimental.pallas import tpu_sc as plsc

NE = 64
K = 2
BR = 1024
N = 16384
NWORK = 32
RPW = N // NWORK
L = 16
NG = 2
GE = NE // NG


def _logits_block(x_ref, w_ref, b_ref, val_ref, idx_ref):
    lt = lax.dot_general(
        w_ref[...], x_ref[...],
        dimension_numbers=(((1,), (1,)), ((), ())),
        preferred_element_type=jnp.float32,
    ) + b_ref[...]
    srow = lax.broadcasted_iota(jnp.int32, (GE, BR), 0)
    v1s, i1s, v2s, i2s = [], [], [], []
    for g in range(NG):
        blk = lt[GE * g:GE * (g + 1), :]
        m1 = jnp.max(blk, axis=0, keepdims=True)
        r1 = jnp.min(jnp.where(blk == m1, srow, GE), axis=0, keepdims=True)
        masked = jnp.where(srow == r1, -jnp.inf, blk)
        m2 = jnp.max(masked, axis=0, keepdims=True)
        r2 = jnp.min(jnp.where(masked == m2, srow, GE), axis=0, keepdims=True)
        v1s.append(m1)
        i1s.append(r1 + GE * g)
        v2s.append(m2)
        i2s.append(r2 + GE * g)
    val_ref[...] = jnp.concatenate(v1s + v2s, axis=0)
    idx_ref[...] = jnp.concatenate(i1s + i2s, axis=0)


def _tc_group_top2(x_flat, W, bcol):
    return pl.pallas_call(
        _logits_block,
        grid=(N // BR,),
        in_specs=[
            pl.BlockSpec((BR, x_flat.shape[1]), lambda i: (i, 0)),
            pl.BlockSpec((NE, x_flat.shape[1]), lambda i: (0, 0)),
            pl.BlockSpec((NE, 1), lambda i: (0, 0)),
        ],
        out_specs=[
            pl.BlockSpec((2 * NG, BR), lambda i: (0, i)),
            pl.BlockSpec((2 * NG, BR), lambda i: (0, i)),
        ],
        out_shape=[
            jax.ShapeDtypeStruct((2 * NG, N), jnp.float32),
            jax.ShapeDtypeStruct((2 * NG, N), jnp.int32),
        ],
        compiler_params=pltpu.CompilerParams(
            dimension_semantics=("parallel",),
        ),
    )(x_flat, W, bcol)


def _merge_top2(a, b):
    am1, ai1, am2, ai2 = a
    bm1, bi1, bm2, bi2 = b
    gt = bm1 > am1
    m1 = jnp.where(gt, bm1, am1)
    i1 = jnp.where(gt, bi1, ai1)
    cv = jnp.where(gt, am1, am2)
    ci = jnp.where(gt, ai1, ai2)
    dv = jnp.where(gt, bm2, bm1)
    di = jnp.where(gt, bi2, bi1)
    gt2 = dv > cv
    m2 = jnp.where(gt2, dv, cv)
    i2 = jnp.where(gt2, di, ci)
    return (m1, i1, m2, i2)


@functools.partial(
    pl.kernel,
    mesh=plsc.VectorSubcoreMesh(core_axis_name="c", subcore_axis_name="s"),
    out_type=[
        jax.ShapeDtypeStruct((K, N), jnp.float32),
        jax.ShapeDtypeStruct((K, N), jnp.int32),
    ],
    scratch_types=[
        pltpu.VMEM((2 * NG, RPW), jnp.float32),
        pltpu.VMEM((2 * NG, RPW), jnp.int32),
        pltpu.VMEM((K, RPW), jnp.float32),
        pltpu.VMEM((K, RPW), jnp.int32),
        pltpu.SemaphoreType.DMA,
        pltpu.SemaphoreType.DMA,
    ],
)
def _sc_top2(val_hbm, idx_hbm, wout_hbm, iout_hbm, vslab, islab, wv, iv, sem0, sem1):
    nc = 2
    wid = lax.axis_index("s") * nc + lax.axis_index("c")
    base = wid * RPW
    cp0 = pltpu.async_copy(val_hbm.at[:, pl.ds(base, RPW)], vslab, sem0)
    cp1 = pltpu.async_copy(idx_hbm.at[:, pl.ds(base, RPW)], islab, sem1)
    cp0.wait()
    cp1.wait()

    def jbody(j, carry):
        off = j * L
        cur = (
            vslab[0, pl.ds(off, L)],
            islab[0, pl.ds(off, L)],
            vslab[NG, pl.ds(off, L)],
            islab[NG, pl.ds(off, L)],
        )
        for g in range(1, NG):
            nxt = (
                vslab[g, pl.ds(off, L)],
                islab[g, pl.ds(off, L)],
                vslab[NG + g, pl.ds(off, L)],
                islab[NG + g, pl.ds(off, L)],
            )
            cur = _merge_top2(cur, nxt)
        m1, i1, m2, i2 = cur
        e2 = jnp.exp(m2 - m1)
        den = 1.0 + e2
        wv[0, pl.ds(off, L)] = 1.0 / den
        wv[1, pl.ds(off, L)] = e2 / den
        iv[0, pl.ds(off, L)] = i1
        iv[1, pl.ds(off, L)] = i2
        return carry

    lax.fori_loop(0, RPW // L, jbody, 0)
    pltpu.sync_copy(wv, wout_hbm.at[:, pl.ds(base, RPW)])
    pltpu.sync_copy(iv, iout_hbm.at[:, pl.ds(base, RPW)])


@jax.jit
def _router(x_flat, W, bcol):
    vals, idxs = _tc_group_top2(x_flat, W, bcol)
    w_t, i_t = _sc_top2(vals, idxs)
    return w_t, i_t


def kernel(x, W, b, training=False):
    batch, seq, hidden = x.shape
    x_flat = x.reshape(-1, hidden)
    w_t, i_t = _router(x_flat, W, b.reshape(NE, 1))
    top_k_weights = w_t.T.reshape(batch, seq, K)
    expert_indices = i_t.T.reshape(batch, seq, K)
    aux_loss = jnp.float32(0.0)
    return (top_k_weights, expert_indices, aux_loss)

# --- scband reference (transcript-rebuilt; emitter-appended) ---
"""Pipeline reference for scband-noisy-top-krouter-33921651704703 (READ-ONLY COPY).

The authoritative reference and input builder live on the scoring server;
editing this copy changes nothing except your own understanding.
"""

import jax, jax.numpy as jnp
import numpy as np

NUM_EXPERTS = 64
TOP_K = 2

def setup_inputs(seed: int = 0) -> dict:
    key = jax.random.key(seed)
    kx, kw = jax.random.split(key)
    x = jax.random.normal(kx, (4, 4096, 2048), dtype=jnp.float32)
    fan_in, fan_out = 2048, NUM_EXPERTS
    limit = float(np.sqrt(6.0 / (fan_in + fan_out)))
    W = jax.random.uniform(kw, (NUM_EXPERTS, 2048), minval=-limit, maxval=limit, dtype=jnp.float32)
    b = jnp.zeros((NUM_EXPERTS,), dtype=jnp.float32)
    return {"x": x, "W": W, "b": b, "training": False}

def reference(x, W, b, training=False):
    # Faithful eval-mode path of NoisyTopKRouter.forward
    # (router_noise_epsilon=0.0 and jitter=0.0 -> no noise added; deterministic)
    batch_size, seq_len, hidden_dim = x.shape
    x_flat = x.reshape(-1, hidden_dim)
    logits = x_flat @ W.T + b  # nn.Linear(input_dim, num_experts)
    routing_weights = jax.nn.softmax(logits, axis=-1)
    top_k_weights, top_k_indices = jax.lax.top_k(routing_weights, TOP_K)
    top_k_weights = top_k_weights / jnp.sum(top_k_weights, axis=-1, keepdims=True)
    top_k_weights = top_k_weights.reshape(batch_size, seq_len, TOP_K)
    expert_indices = top_k_indices.reshape(batch_size, seq_len, TOP_K)
    aux_loss = jnp.float32(0.0)  # training=False -> load-balancing loss skipped
    return (top_k_weights, expert_indices, aux_loss)

if __name__ == "__main__":
    import jax
    _d = setup_inputs()
    print(jax.jit(kernel)(*tuple(_d.values())))

</pallas_src>

<mosaic_0001>
#map = affine_map<(d0, d1) -> (0, 0)>
module attributes {stable_mosaic.version = 14 : i64} {
  func.func @_sc_top2(%arg0: i32, %arg1: i32, %arg2: memref<4x16384xf32, #tpu.memory_space<hbm>>, %arg3: memref<4x16384xi32, #tpu.memory_space<hbm>>, %arg4: memref<2x16384xf32, #tpu.memory_space<hbm>>, %arg5: memref<2x16384xi32, #tpu.memory_space<hbm>>, %arg6: memref<4x512xf32, #tpu.memory_space<vmem>>, %arg7: memref<4x512xi32, #tpu.memory_space<vmem>>, %arg8: memref<2x512xf32, #tpu.memory_space<vmem>>, %arg9: memref<2x512xi32, #tpu.memory_space<vmem>>, %arg10: memref<!tpu.dma_semaphore, #tpu.memory_space<semaphore_mem>>, %arg11: memref<!tpu.dma_semaphore, #tpu.memory_space<semaphore_mem>>) attributes {dimension_semantics = [#tpu.dimension_semantics<core_parallel>, #tpu.dimension_semantics<subcore_parallel>], iteration_bounds = array<i64: 2, 16>, scalar_prefetch = 0 : i64, scratch_operands = 6 : i64, tpu.core_type = #tpu.core_type<sc_vector_subcore>, window_params = [{transform_indices = #map}, {transform_indices = #map}, {transform_indices = #map}, {transform_indices = #map}]} {
    %mul3A = arith.constant 2 : i32
    %mul3A_0 = arith.muli %arg1, %mul3A : i32
    %add3A = arith.addi %mul3A_0, %arg0 : i32
    %mul3A_1 = arith.constant 512 : i32
    %mul3A_2 = arith.muli %add3A, %mul3A_1 : i32
    %dma_start3A = arith.constant 0 : i32
    %dma_start3A_3 = tpu.memref_slice %arg2[%dma_start3A, %mul3A_2] : memref<4x16384xf32, #tpu.memory_space<hbm>> -> memref<4x512xf32, #tpu.memory_space<hbm>>
    %dma_start3A_4 = arith.constant 0 : i32
    %dma_start3A_5 = tpu.memref_slice %arg2[%dma_start3A_4, %mul3A_2] : memref<4x16384xf32, #tpu.memory_space<hbm>> -> memref<4x512xf32, #tpu.memory_space<hbm>>
    tpu.enqueue_dma source(%dma_start3A_5 : memref<4x512xf32, #tpu.memory_space<hbm>>) target(%arg6 : memref<4x512xf32, #tpu.memory_space<vmem>>) target_semaphore(%arg10 : memref<!tpu.dma_semaphore, #tpu.memory_space<semaphore_mem>>)
    %dma_start3A_6 = arith.constant 0 : i32
    %dma_start3A_7 = tpu.memref_slice %arg3[%dma_start3A_6, %mul3A_2] : memref<4x16384xi32, #tpu.memory_space<hbm>> -> memref<4x512xi32, #tpu.memory_space<hbm>>
    %dma_start3A_8 = arith.constant 0 : i32
    %dma_start3A_9 = tpu.memref_slice %arg3[%dma_start3A_8, %mul3A_2] : memref<4x16384xi32, #tpu.memory_space<hbm>> -> memref<4x512xi32, #tpu.memory_space<hbm>>
    tpu.enqueue_dma source(%dma_start3A_9 : memref<4x512xi32, #tpu.memory_space<hbm>>) target(%arg7 : memref<4x512xi32, #tpu.memory_space<vmem>>) target_semaphore(%arg11 : memref<!tpu.dma_semaphore, #tpu.memory_space<semaphore_mem>>)
    %dma_wait3A = arith.constant 0 : i32
    %dma_wait3A_10 = tpu.memref_slice %arg2[%dma_wait3A, %mul3A_2] : memref<4x16384xf32, #tpu.memory_space<hbm>> -> memref<4x512xf32, #tpu.memory_space<hbm>>
    %dma_wait3A_11 = arith.constant 0 : i32
    %dma_wait3A_12 = tpu.memref_slice %arg2[%dma_wait3A_11, %mul3A_2] : memref<4x16384xf32, #tpu.memory_space<hbm>> -> memref<4x512xf32, #tpu.memory_space<hbm>>
    tpu.wait_dma2 semaphore(%arg10 : memref<!tpu.dma_semaphore, #tpu.memory_space<semaphore_mem>>) src(%dma_wait3A_12 : memref<4x512xf32, #tpu.memory_space<hbm>>) dst(%arg6 : memref<4x512xf32, #tpu.memory_space<vmem>>)
    %dma_wait3A_13 = arith.constant 0 : i32
    %dma_wait3A_14 = tpu.memref_slice %arg3[%dma_wait3A_13, %mul3A_2] : memref<4x16384xi32, #tpu.memory_space<hbm>> -> memref<4x512xi32, #tpu.memory_space<hbm>>
    %dma_wait3A_15 = arith.constant 0 : i32
    %dma_wait3A_16 = tpu.memref_slice %arg3[%dma_wait3A_15, %mul3A_2] : memref<4x16384xi32, #tpu.memory_space<hbm>> -> memref<4x512xi32, #tpu.memory_space<hbm>>
    tpu.wait_dma2 semaphore(%arg11 : memref<!tpu.dma_semaphore, #tpu.memory_space<semaphore_mem>>) src(%dma_wait3A_16 : memref<4x512xi32, #tpu.memory_space<hbm>>) dst(%arg7 : memref<4x512xi32, #tpu.memory_space<vmem>>)
    %scan3A = arith.constant 0 : i32
    %scan3A_17 = arith.constant 0 : i32
    %scan3A_18 = arith.constant 32 : i32
    %scan3A_19 = arith.addi %scan3A_17, %scan3A_18 : i32
    %scan3A_20 = arith.constant 1 : i32
    scf.for %scan3A_22 = %scan3A_17 to %scan3A_19 step %scan3A_20  : i32 {
      %mul3A_23 = arith.constant 16 : i32
      %mul3A_24 = arith.muli %scan3A_22, %mul3A_23 : i32
      %get3A = arith.constant 0 : i32
      %get3A_25 = arith.index_cast %get3A : i32 to index
      %get3A_26 = arith.index_cast %mul3A_24 : i32 to index
      %get3A_27 = tpu.vector_load %arg6[%get3A_25, %get3A_26] {strides = array<i32>} : memref<4x512xf32, #tpu.memory_space<vmem>>, vector<1x16xf32>,
      %get3A_28 = vector.shape_cast %get3A_27 : vector<1x16xf32> to vector<16xf32>
      %get3A_29 = arith.constant 0 : i32
      %get3A_30 = arith.index_cast %get3A_29 : i32 to index
      %get3A_31 = arith.index_cast %mul3A_24 : i32 to index
      %get3A_32 = tpu.vector_load %arg7[%get3A_30, %get3A_31] {strides = array<i32>} : memref<4x512xi32, #tpu.memory_space<vmem>>, vector<1x16xi32>,
      %get3A_33 = vector.shape_cast %get3A_32 : vector<1x16xi32> to vector<16xi32>
      %get3A_34 = arith.constant 2 : i32
      %get3A_35 = arith.index_cast %get3A_34 : i32 to index
      %get3A_36 = arith.index_cast %mul3A_24 : i32 to index
      %get3A_37 = tpu.vector_load %arg6[%get3A_35, %get3A_36] {strides = array<i32>} : memref<4x512xf32, #tpu.memory_space<vmem>>, vector<1x16xf32>,
      %get3A_38 = vector.shape_cast %get3A_37 : vector<1x16xf32> to vector<16xf32>
      %get3A_39 = arith.constant 2 : i32
      %get3A_40 = arith.index_cast %get3A_39 : i32 to index
      %get3A_41 = arith.index_cast %mul3A_24 : i32 to index
      %get3A_42 = tpu.vector_load %arg7[%get3A_40, %get3A_41] {strides = array<i32>} : memref<4x512xi32, #tpu.memory_space<vmem>>, vector<1x16xi32>,
      %get3A_43 = vector.shape_cast %get3A_42 : vector<1x16xi32> to vector<16xi32>
      %get3A_44 = arith.constant 1 : i32
      %get3A_45 = arith.index_cast %get3A_44 : i32 to index
      %get3A_46 = arith.index_cast %mul3A_24 : i32 to index
      %get3A_47 = tpu.vector_load %arg6[%get3A_45, %get3A_46] {strides = array<i32>} : memref<4x512xf32, #tpu.memory_space<vmem>>, vector<1x16xf32>,
      %get3A_48 = vector.shape_cast %get3A_47 : vector<1x16xf32> to vector<16xf32>
      %get3A_49 = arith.constant 1 : i32
      %get3A_50 = arith.index_cast %get3A_49 : i32 to index
      %get3A_51 = arith.index_cast %mul3A_24 : i32 to index
      %get3A_52 = tpu.vector_load %arg7[%get3A_50, %get3A_51] {strides = array<i32>} : memref<4x512xi32, #tpu.memory_space<vmem>>, vector<1x16xi32>,
      %get3A_53 = vector.shape_cast %get3A_52 : vector<1x16xi32> to vector<16xi32>
      %get3A_54 = arith.constant 3 : i32
      %get3A_55 = arith.index_cast %get3A_54 : i32 to index
      %get3A_56 = arith.index_cast %mul3A_24 : i32 to index
      %get3A_57 = tpu.vector_load %arg6[%get3A_55, %get3A_56] {strides = array<i32>} : memref<4x512xf32, #tpu.memory_space<vmem>>, vector<1x16xf32>,
      %get3A_58 = vector.shape_cast %get3A_57 : vector<1x16xf32> to vector<16xf32>
      %get3A_59 = arith.constant 3 : i32
      %get3A_60 = arith.index_cast %get3A_59 : i32 to index
      %get3A_61 = arith.index_cast %mul3A_24 : i32 to index
      %get3A_62 = tpu.vector_load %arg7[%get3A_60, %get3A_61] {strides = array<i32>} : memref<4x512xi32, #tpu.memory_space<vmem>>, vector<1x16xi32>,
      %get3A_63 = vector.shape_cast %get3A_62 : vector<1x16xi32> to vector<16xi32>
      %gt3A = arith.cmpf ogt, %get3A_48, %get3A_28 : vector<16xf32>
      %select_n3A = arith.select %gt3A, %get3A_48, %get3A_28 : vector<16xi1>, vector<16xf32>
      %select_n3A_64 = arith.select %gt3A, %get3A_53, %get3A_33 : vector<16xi1>, vector<16xi32>
      %select_n3A_65 = arith.select %gt3A, %get3A_28, %get3A_38 : vector<16xi1>, vector<16xf32>
      %select_n3A_66 = arith.select %gt3A, %get3A_33, %get3A_43 : vector<16xi1>, vector<16xi32>
      %select_n3A_67 = arith.select %gt3A, %get3A_58, %get3A_48 : vector<16xi1>, vector<16xf32>
      %select_n3A_68 = arith.select %gt3A, %get3A_63, %get3A_53 : vector<16xi1>, vector<16xi32>
      %gt3A_69 = arith.cmpf ogt, %select_n3A_67, %select_n3A_65 : vector<16xf32>
      %select_n3A_70 = arith.select %gt3A_69, %select_n3A_67, %select_n3A_65 : vector<16xi1>, vector<16xf32>
      %select_n3A_71 = arith.select %gt3A_69, %select_n3A_68, %select_n3A_66 : vector<16xi1>, vector<16xi32>
      %sub3A = arith.subf %select_n3A_70, %select_n3A : vector<16xf32>
      %exp3A = math.exp %sub3A : vector<16xf32>
      %add3A_72 = arith.constant 1.000000e+00 : f32
      %add3A_73 = vector.broadcast %add3A_72 : f32 to vector<16xf32>
      %add3A_74 = arith.addf %add3A_73, %exp3A : vector<16xf32>
      %div3A = arith.constant 1.000000e+00 : f32
      %div3A_75 = vector.broadcast %div3A : f32 to vector<16xf32>
      %div3A_76 = arith.divf %div3A_75, %add3A_74 : vector<16xf32>
      %swap3A = arith.constant 0 : i32
      %swap3A_77 = arith.index_cast %swap3A : i32 to index
      %swap3A_78 = arith.index_cast %mul3A_24 : i32 to index
      %swap3A_79 = tpu.vector_load %arg8[%swap3A_77, %swap3A_78] {strides = array<i32>} : memref<2x512xf32, #tpu.memory_space<vmem>>, vector<1x16xf32>,
      %swap3A_80 = vector.shape_cast %swap3A_79 : vector<1x16xf32> to vector<16xf32>
      %swap3A_81 = vector.shape_cast %div3A_76 : vector<16xf32> to vector<1x16xf32>
      tpu.vector_store %arg8[%swap3A_77, %swap3A_78], %swap3A_81 {strides = array<i32>} : memref<2x512xf32, #tpu.memory_space<vmem>>, vector<1x16xf32>,
      %div3A_82 = arith.divf %exp3A, %add3A_74 : vector<16xf32>
      %swap3A_83 = arith.constant 1 : i32
      %swap3A_84 = arith.index_cast %swap3A_83 : i32 to index
      %swap3A_85 = arith.index_cast %mul3A_24 : i32 to index
      %swap3A_86 = tpu.vector_load %arg8[%swap3A_84, %swap3A_85] {strides = array<i32>} : memref<2x512xf32, #tpu.memory_space<vmem>>, vector<1x16xf32>,
      %swap3A_87 = vector.shape_cast %swap3A_86 : vector<1x16xf32> to vector<16xf32>
      %swap3A_88 = vector.shape_cast %div3A_82 : vector<16xf32> to vector<1x16xf32>
      tpu.vector_store %arg8[%swap3A_84, %swap3A_85], %swap3A_88 {strides = array<i32>} : memref<2x512xf32, #tpu.memory_space<vmem>>, vector<1x16xf32>,
      %swap3A_89 = arith.constant 0 : i32
      %swap3A_90 = arith.index_cast %swap3A_89 : i32 to index
      %swap3A_91 = arith.index_cast %mul3A_24 : i32 to index
      %swap3A_92 = tpu.vector_load %arg9[%swap3A_90, %swap3A_91] {strides = array<i32>} : memref<2x512xi32, #tpu.memory_space<vmem>>, vector<1x16xi32>,
      %swap3A_93 = vector.shape_cast %swap3A_92 : vector<1x16xi32> to vector<16xi32>
      %swap3A_94 = vector.shape_cast %select_n3A_64 : vector<16xi32> to vector<1x16xi32>
      tpu.vector_store %arg9[%swap3A_90, %swap3A_91], %swap3A_94 {strides = array<i32>} : memref<2x512xi32, #tpu.memory_space<vmem>>, vector<1x16xi32>,
      %swap3A_95 = arith.constant 1 : i32
      %swap3A_96 = arith.index_cast %swap3A_95 : i32 to index
      %swap3A_97 = arith.index_cast %mul3A_24 : i32 to index
      %swap3A_98 = tpu.vector_load %arg9[%swap3A_96, %swap3A_97] {strides = array<i32>} : memref<2x512xi32, #tpu.memory_space<vmem>>, vector<1x16xi32>,
      %swap3A_99 = vector.shape_cast %swap3A_98 : vector<1x16xi32> to vector<16xi32>
      %swap3A_100 = vector.shape_cast %select_n3A_71 : vector<16xi32> to vector<1x16xi32>
      tpu.vector_store %arg9[%swap3A_96, %swap3A_97], %swap3A_100 {strides = array<i32>} : memref<2x512xi32, #tpu.memory_space<vmem>>, vector<1x16xi32>,
    }
    %scan3A_21 = arith.constant 32 : i32
    "tpu.region"() ({
      %run_scoped3A = tpu.sem_alloc : memref<!tpu.dma_semaphore, #tpu.memory_space<semaphore_mem>>
      %dma_start3A_22 = arith.constant 0 : i32
      %dma_start3A_23 = tpu.memref_slice %arg4[%dma_start3A_22, %mul3A_2] : memref<2x16384xf32, #tpu.memory_space<hbm>> -> memref<2x512xf32, #tpu.memory_space<hbm>>
      %dma_start3A_24 = arith.constant 0 : i32
      %dma_start3A_25 = tpu.memref_slice %arg4[%dma_start3A_24, %mul3A_2] : memref<2x16384xf32, #tpu.memory_space<hbm>> -> memref<2x512xf32, #tpu.memory_space<hbm>>
      tpu.enqueue_dma source(%arg8 : memref<2x512xf32, #tpu.memory_space<vmem>>) target(%dma_start3A_25 : memref<2x512xf32, #tpu.memory_space<hbm>>) target_semaphore(%run_scoped3A : memref<!tpu.dma_semaphore, #tpu.memory_space<semaphore_mem>>)
      %dma_wait3A_26 = arith.constant 0 : i32
      %dma_wait3A_27 = tpu.memref_slice %arg4[%dma_wait3A_26, %mul3A_2] : memref<2x16384xf32, #tpu.memory_space<hbm>> -> memref<2x512xf32, #tpu.memory_space<hbm>>
      %dma_wait3A_28 = arith.constant 0 : i32
      %dma_wait3A_29 = tpu.memref_slice %arg4[%dma_wait3A_28, %mul3A_2] : memref<2x16384xf32, #tpu.memory_space<hbm>> -> memref<2x512xf32, #tpu.memory_space<hbm>>
      tpu.wait_dma2 semaphore(%run_scoped3A : memref<!tpu.dma_semaphore, #tpu.memory_space<semaphore_mem>>) src(%arg8 : memref<2x512xf32, #tpu.memory_space<vmem>>) dst(%dma_wait3A_29 : memref<2x512xf32, #tpu.memory_space<hbm>>)
      tpu.yield
    }) : () -> ()
    "tpu.region"() ({
      %run_scoped3A = tpu.sem_alloc : memref<!tpu.dma_semaphore, #tpu.memory_space<semaphore_mem>>
      %dma_start3A_22 = arith.constant 0 : i32
      %dma_start3A_23 = tpu.memref_slice %arg5[%dma_start3A_22, %mul3A_2] : memref<2x16384xi32, #tpu.memory_space<hbm>> -> memref<2x512xi32, #tpu.memory_space<hbm>>
      %dma_start3A_24 = arith.constant 0 : i32
      %dma_start3A_25 = tpu.memref_slice %arg5[%dma_start3A_24, %mul3A_2] : memref<2x16384xi32, #tpu.memory_space<hbm>> -> memref<2x512xi32, #tpu.memory_space<hbm>>
      tpu.enqueue_dma source(%arg9 : memref<2x512xi32, #tpu.memory_space<vmem>>) target(%dma_start3A_25 : memref<2x512xi32, #tpu.memory_space<hbm>>) target_semaphore(%run_scoped3A : memref<!tpu.dma_semaphore, #tpu.memory_space<semaphore_mem>>)
      %dma_wait3A_26 = arith.constant 0 : i32
      %dma_wait3A_27 = tpu.memref_slice %arg5[%dma_wait3A_26, %mul3A_2] : memref<2x16384xi32, #tpu.memory_space<hbm>> -> memref<2x512xi32, #tpu.memory_space<hbm>>
      %dma_wait3A_28 = arith.constant 0 : i32
      %dma_wait3A_29 = tpu.memref_slice %arg5[%dma_wait3A_28, %mul3A_2] : memref<2x16384xi32, #tpu.memory_space<hbm>> -> memref<2x512xi32, #tpu.memory_space<hbm>>
      tpu.wait_dma2 semaphore(%run_scoped3A : memref<!tpu.dma_semaphore, #tpu.memory_space<semaphore_mem>>) src(%arg9 : memref<2x512xi32, #tpu.memory_space<vmem>>) dst(%dma_wait3A_29 : memref<2x512xi32, #tpu.memory_space<hbm>>)
      tpu.yield
    }) : () -> ()
    return
  }
}

module attributes {stable_mosaic.version = 14 : i64} {
  func.func @_logits_block(%arg0: i32, %arg1: memref<1024x2048xf32, #tpu.memory_space<vmem>>, %arg2: memref<64x2048xf32, #tpu.memory_space<vmem>>, %arg3: memref<64x1xf32, #tpu.memory_space<vmem>>, %arg4: memref<4x1024xf32, #tpu.memory_space<vmem>>, %arg5: memref<4x1024xi32, #tpu.memory_space<vmem>>) attributes {dimension_semantics = [#tpu.dimension_semantics<parallel>], iteration_bounds = array<i64: 16>, scalar_prefetch = 0 : i64, scratch_operands = 0 : i64, tpu.core_type = #tpu.core_type<tc>, window_params = [{transform_indices = @transform_0, window_bounds = array<i64: 1024, 2048>}, {pipeline_mode = #tpu.pipeline_mode<synchronous>, transform_indices = @transform_1, window_bounds = array<i64: 64, 2048>}, {pipeline_mode = #tpu.pipeline_mode<synchronous>, transform_indices = @transform_2, window_bounds = array<i64: 64, 1>}, {transform_indices = @transform_3, window_bounds = array<i64: 4, 1024>}, {transform_indices = @transform_4, window_bounds = array<i64: 4, 1024>}]} {
    %get3A = arith.constant 0 : index
    %get3A_0 = arith.constant 0 : index
    %get3A_1 = vector.load %arg2[%get3A, %get3A_0] : memref<64x2048xf32, #tpu.memory_space<vmem>>, vector<64x2048xf32>
    %get3A_2 = arith.constant 0 : index
    %get3A_3 = arith.constant 0 : index
    %get3A_4 = vector.load %arg1[%get3A_2, %get3A_3] : memref<1024x2048xf32, #tpu.memory_space<vmem>>, vector<1024x2048xf32>
    %dot_general3A = arith.constant dense<0.000000e+00> : vector<64x1024xf32>
    %dot_general3A_5 = tpu.matmul %get3A_1, %get3A_4, %dot_general3A {dimension_numbers = #tpu.dot_dimension_numbers<[1], [1], [0], [0], [0, 0, 1, 0], [], []>, transpose_lhs_hint = false} : vector<64x2048xf32>, vector<1024x2048xf32>, vector<64x1024xf32> -> vector<64x1024xf32>
    %get3A_6 = arith.constant 0 : index
    %get3A_7 = arith.constant 0 : index
    %get3A_8 = vector.load %arg3[%get3A_6, %get3A_7] : memref<64x1xf32, #tpu.memory_space<vmem>>, vector<64x1xf32>
    %add3A = vector.broadcast %get3A_8 : vector<64x1xf32> to vector<64x1024xf32>
    %add3A_9 = arith.addf %dot_general3A_5, %add3A : vector<64x1024xf32>
    %iota3A = tpu.iota {dimensions = array<i32: 0>} : vector<32x1024xi32>
    %slice3A = vector.extract_strided_slice %add3A_9 {offsets = [0, 0], sizes = [32, 1024], strides = [1, 1]} : vector<64x1024xf32> to vector<32x1024xf32>
    %reduce_max3A = arith.constant dense<0xFF800000> : vector<1024xf32>
    %reduce_max3A_10 = vector.multi_reduction <maximumf>, %slice3A, %reduce_max3A [0] : vector<32x1024xf32> to vector<1024xf32>
    %broadcast_in_dim3A = vector.shape_cast %reduce_max3A_10 : vector<1024xf32> to vector<1x1024xf32>
    %eq3A = vector.broadcast %broadcast_in_dim3A : vector<1x1024xf32> to vector<32x1024xf32>
    %eq3A_11 = arith.cmpf oeq, %slice3A, %eq3A : vector<32x1024xf32>
    %jit3A = arith.constant 32 : i32
    %broadcast_in_dim3A_12 = vector.broadcast %jit3A : i32 to vector<32x1024xi32>
    %select_n3A = arith.select %eq3A_11, %iota3A, %broadcast_in_dim3A_12 : vector<32x1024xi1>, vector<32x1024xi32>
    %reduce_min3A = arith.constant dense<2147483647> : vector<1024xi32>
    %reduce_min3A_13 = vector.multi_reduction <minsi>, %select_n3A, %reduce_min3A [0] : vector<32x1024xi32> to vector<1024xi32>
    %broadcast_in_dim3A_14 = vector.shape_cast %reduce_min3A_13 : vector<1024xi32> to vector<1x1024xi32>
    %eq3A_15 = vector.broadcast %broadcast_in_dim3A_14 : vector<1x1024xi32> to vector<32x1024xi32>
    %eq3A_16 = arith.cmpi eq, %iota3A, %eq3A_15 : vector<32x1024xi32>
    %jit3A_17 = arith.constant 0xFF800000 : f32
    %broadcast_in_dim3A_18 = vector.broadcast %jit3A_17 : f32 to vector<32x1024xf32>
    %select_n3A_19 = arith.select %eq3A_16, %broadcast_in_dim3A_18, %slice3A : vector<32x1024xi1>, vector<32x1024xf32>
    %reduce_max3A_20 = arith.constant dense<0xFF800000> : vector<1024xf32>
    %reduce_max3A_21 = vector.multi_reduction <maximumf>, %select_n3A_19, %reduce_max3A_20 [0] : vector<32x1024xf32> to vector<1024xf32>
    %broadcast_in_dim3A_22 = vector.shape_cast %reduce_max3A_21 : vector<1024xf32> to vector<1x1024xf32>
    %eq3A_23 = vector.broadcast %broadcast_in_dim3A_22 : vector<1x1024xf32> to vector<32x1024xf32>
    %eq3A_24 = arith.cmpf oeq, %select_n3A_19, %eq3A_23 : vector<32x1024xf32>
    %jit3A_25 = arith.constant 32 : i32
    %broadcast_in_dim3A_26 = vector.broadcast %jit3A_25 : i32 to vector<32x1024xi32>
    %select_n3A_27 = arith.select %eq3A_24, %iota3A, %broadcast_in_dim3A_26 : vector<32x1024xi1>, vector<32x1024xi32>
    %reduce_min3A_28 = arith.constant dense<2147483647> : vector<1024xi32>
    %reduce_min3A_29 = vector.multi_reduction <minsi>, %select_n3A_27, %reduce_min3A_28 [0] : vector<32x1024xi32> to vector<1024xi32>
    %broadcast_in_dim3A_30 = vector.shape_cast %reduce_min3A_29 : vector<1024xi32> to vector<1x1024xi32>
    %add3A_31 = arith.constant 0 : i32
    %add3A_32 = vector.broadcast %add3A_31 : i32 to vector<1x1024xi32>
    %add3A_33 = arith.addi %broadcast_in_dim3A_14, %add3A_32 : vector<1x1024xi32>
    %add3A_34 = arith.constant 0 : i32
    %add3A_35 = vector.broadcast %add3A_34 : i32 to vector<1x1024xi32>
    %add3A_36 = arith.addi %broadcast_in_dim3A_30, %add3A_35 : vector<1x1024xi32>
    %slice3A_37 = vector.extract_strided_slice %add3A_9 {offsets = [32, 0], sizes = [32, 1024], strides = [1, 1]} : vector<64x1024xf32> to vector<32x1024xf32>
    %reduce_max3A_38 = arith.constant dense<0xFF800000> : vector<1024xf32>
    %reduce_max3A_39 = vector.multi_reduction <maximumf>, %slice3A_37, %reduce_max3A_38 [0] : vector<32x1024xf32> to vector<1024xf32>
    %broadcast_in_dim3A_40 = vector.shape_cast %reduce_max3A_39 : vector<1024xf32> to vector<1x1024xf32>
    %eq3A_41 = vector.broadcast %broadcast_in_dim3A_40 : vector<1x1024xf32> to vector<32x1024xf32>
    %eq3A_42 = arith.cmpf oeq, %slice3A_37, %eq3A_41 : vector<32x1024xf32>
    %jit3A_43 = arith.constant 32 : i32
    %broadcast_in_dim3A_44 = vector.broadcast %jit3A_43 : i32 to vector<32x1024xi32>
    %select_n3A_45 = arith.select %eq3A_42, %iota3A, %broadcast_in_dim3A_44 : vector<32x1024xi1>, vector<32x1024xi32>
    %reduce_min3A_46 = arith.constant dense<2147483647> : vector<1024xi32>
    %reduce_min3A_47 = vector.multi_reduction <minsi>, %select_n3A_45, %reduce_min3A_46 [0] : vector<32x1024xi32> to vector<1024xi32>
    %broadcast_in_dim3A_48 = vector.shape_cast %reduce_min3A_47 : vector<1024xi32> to vector<1x1024xi32>
    %eq3A_49 = vector.broadcast %broadcast_in_dim3A_48 : vector<1x1024xi32> to vector<32x1024xi32>
    %eq3A_50 = arith.cmpi eq, %iota3A, %eq3A_49 : vector<32x1024xi32>
    %jit3A_51 = arith.constant 0xFF800000 : f32
    %broadcast_in_dim3A_52 = vector.broadcast %jit3A_51 : f32 to vector<32x1024xf32>
    %select_n3A_53 = arith.select %eq3A_50, %broadcast_in_dim3A_52, %slice3A_37 : vector<32x1024xi1>, vector<32x1024xf32>
    %reduce_max3A_54 = arith.constant dense<0xFF800000> : vector<1024xf32>
    %reduce_max3A_55 = vector.multi_reduction <maximumf>, %select_n3A_53, %reduce_max3A_54 [0] : vector<32x1024xf32> to vector<1024xf32>
    %broadcast_in_dim3A_56 = vector.shape_cast %reduce_max3A_55 : vector<1024xf32> to vector<1x1024xf32>
    %eq3A_57 = vector.broadcast %broadcast_in_dim3A_56 : vector<1x1024xf32> to vector<32x1024xf32>
    %eq3A_58 = arith.cmpf oeq, %select_n3A_53, %eq3A_57 : vector<32x1024xf32>
    %jit3A_59 = arith.constant 32 : i32
    %broadcast_in_dim3A_60 = vector.broadcast %jit3A_59 : i32 to vector<32x1024xi32>
    %select_n3A_61 = arith.select %eq3A_58, %iota3A, %broadcast_in_dim3A_60 : vector<32x1024xi1>, vector<32x1024xi32>
    %reduce_min3A_62 = arith.constant dense<2147483647> : vector<1024xi32>
    %reduce_min3A_63 = vector.multi_reduction <minsi>, %select_n3A_61, %reduce_min3A_62 [0] : vector<32x1024xi32> to vector<1024xi32>
    %broadcast_in_dim3A_64 = vector.shape_cast %reduce_min3A_63 : vector<1024xi32> to vector<1x1024xi32>
    %add3A_65 = arith.constant 32 : i32
    %add3A_66 = vector.broadcast %add3A_65 : i32 to vector<1x1024xi32>
    %add3A_67 = arith.addi %broadcast_in_dim3A_48, %add3A_66 : vector<1x1024xi32>
    %add3A_68 = arith.constant 32 : i32
    %add3A_69 = vector.broadcast %add3A_68 : i32 to vector<1x1024xi32>
    %add3A_70 = arith.addi %broadcast_in_dim3A_64, %add3A_69 : vector<1x1024xi32>
    %concatenate3A = tpu.concatenate %broadcast_in_dim3A, %broadcast_in_dim3A_40, %broadcast_in_dim3A_22, %broadcast_in_dim3A_56 in 0 : vector<1x1024xf32>, vector<1x1024xf32>, vector<1x1024xf32>, vector<1x1024xf32> -> vector<4x1024xf32>
    %swap3A = arith.constant 0 : index
    %swap3A_71 = arith.constant 0 : index
    %swap3A_72 = vector.load %arg4[%swap3A, %swap3A_71] : memref<4x1024xf32, #tpu.memory_space<vmem>>, vector<4x1024xf32>
    tpu.vector_store %arg4[%swap3A, %swap3A_71], %concatenate3A {strides = array<i32>} : memref<4x1024xf32, #tpu.memory_space<vmem>>, vector<4x1024xf32>,
    %concatenate3A_73 = tpu.concatenate %add3A_33, %add3A_67, %add3A_36, %add3A_70 in 0 : vector<1x1024xi32>, vector<1x1024xi32>, vector<1x1024xi32>, vector<1x1024xi32> -> vector<4x1024xi32>
    %swap3A_74 = arith.constant 0 : index
    %swap3A_75 = arith.constant 0 : index
    %swap3A_76 = vector.load %arg5[%swap3A_74, %swap3A_75] : memref<4x1024xi32, #tpu.memory_space<vmem>>, vector<4x1024xi32>
    tpu.vector_store %arg5[%swap3A_74, %swap3A_75], %concatenate3A_73 {strides = array<i32>} : memref<4x1024xi32, #tpu.memory_space<vmem>>, vector<4x1024xi32>,
    return
  }
  func.func @transform_0(%arg0: i32) -> (i32, i32) {
    %c0_i32 = arith.constant 0 : i32
    %c0_i32_0 = arith.constant 0 : i32
    return %arg0, %c0_i32 : i32, i32
  }
  func.func @transform_1(%arg0: i32) -> (i32, i32) {
    %c0_i32 = arith.constant 0 : i32
    %c0_i32_0 = arith.constant 0 : i32
    %c0_i32_1 = arith.constant 0 : i32
    return %c0_i32, %c0_i32_0 : i32, i32
  }
  func.func @transform_2(%arg0: i32) -> (i32, i32) {
    %c0_i32 = arith.constant 0 : i32
    %c0_i32_0 = arith.constant 0 : i32
    %c0_i32_1 = arith.constant 0 : i32
    return %c0_i32, %c0_i32_0 : i32, i32
  }
  func.func @transform_3(%arg0: i32) -> (i32, i32) {
    %c0_i32 = arith.constant 0 : i32
    %c0_i32_0 = arith.constant 0 : i32
    return %c0_i32, %arg0 : i32, i32
  }
  func.func @transform_4(%arg0: i32) -> (i32, i32) {
    %c0_i32 = arith.constant 0 : i32
    %c0_i32_0 = arith.constant 0 : i32
    return %c0_i32, %arg0 : i32, i32
  }
}

</mosaic_0001>

<sc_bundles>
// kernel: _router.4.cloned.1.call-start
scs
__scs_entry_jumppad:
0x0: {  	(pc) =	sbr.rel $0x88, $3  }
0x1: {  	(tag) =	ssettag $0x0;
	lr =	simm.s32 $0x1  }
0x2: {  	[smem:$0x3F9E] =	sst lr;
	_ =	strace $0xD0000000  }
0x3: {  	_ = 	snop  }
0x4: {  	_ = 	snop  }
0x5: {  	_ = 	snop  }
0x6: {  	_ = 	snop  }
0x7: {  	_ = 	snop  }
__scs_overlays_trampoline_lowered:
0x8: {  	[smem:$0x3FAD] =	sst s0  }
0x9: {  	[smem:$0x3FAE] =	sst s1  }
0xa: {  	[smem:$0x3FAF] =	sst s2  }
0xb: {  	[smem:$0x3FB0] =	sst s3  }
0xc: {  	[smem:$0x3FB1] =	sst s4  }
0xd: {  	[smem:$0x3FB2] =	sst s5  }
0xe: {  	[smem:$0x3FB3] =	sst s6  }
0xf: {  	[smem:$0x3FB4] =	sst s7  }
0x10: {  	[smem:$0x3FB5] =	sst s8  }
0x11: {  	[smem:$0x3FB6] =	sst s9;
	s0 =	simm.s32 @!p0 $0x0  }
0x12: {  	s1 =	sld [smem:$0x3F9C];
	s0 =	simm.s32 @p0 $0x1  }
0x13: {  	[smem:$0x3FB7] =	sst s0;
	s0 =	simm.s32 @!p1 $0x0  }
0x14: {  	s2 =	sld [smem:$0x3F9B];
	s0 =	simm.s32 @p1 $0x1  }
0x15: {  	[smem:$0x3FB8] =	sst s0;
	s0 =	simm.s32 @!p2 $0x0  }
0x16: {  	s3 =	sld [smem:$0x3FDB];
	s0 =	simm.s32 @p2 $0x1  }
0x17: {  	s4 =	simm.s32 $0x1BF5;
	[smem:$0x3FBA] =	sst s0  }
0x18: {  	s0 =	sld [smem:$0x3F9D];
	_ =	swait.ge [sflag:s4], $0x0  }
0x19: {  	s7 =	sld [smem:$0x3F9E]  }
0x1a: {  	s8 =	sadd.s32 $0xFFFFE003, lr  }
0x1b: {  	s9 =	sadd.s32 $0xFFFFFEF7, lr;
	s5 =	simm.s32 $0xFFFFFFFF;
	p2 =	slt.u32 s8, $0xFFFFF086  }
0x1c: {  	p1 =	slt.u32 s9, $0xF7A;
	s5 =	simm.s32 @!p2 $0x0  }
0x1d: {  	s5 =	simm.s32 @p1 $0x1;
	p0 =	seq.s32 s7, s2  }
0x1e: {  	s7 =	smul.u32 @!p0 $0xF7A, s2;
	p2 =	seq.s32 @!p0 s5, $0x0  }
0x1f: {  	s9 =	smul.u32 $0xF7A, s1;
	s8 =	simm.s32 @!p0 $0x1BF5;
	p2 =	por !p2, p0  }
0x20: {  	[sflag:s8] =	ssyncset.s32 @!p0 $0xFFFFF086;
	s6 =	sadd.s32 @!p0 s3, s7;
	s7 =	simm.s32 @!p0 $0x108  }
0x21: {  	s3 =	sadd.s32 s3, s9;
	s6 =	sadd.s32 @!p0 $0x88, s6;
	s7 =	simm.s32 @p2 $0x1082  }
0x22: {  	[simem:s7], [sflag:s8] =	dma.local @!p0 [hbm:s6], $0xF7A  }
0x23: {  	s9 =	sor.u32 $0xD0000000, s2;
	s6 =	simm.s32 $0x108;
	_ =	swait.ge @!p0 [sflag:s8], $0x0  }
0x24: {  	s3 =	sadd.s32 $0x88, s3;
	s6 =	simm.s32 @!p1 $0x1082;
	[sflag:s4] =	ssyncset.s32 $0xFFFFF086  }
0x25: {  	[simem:s6], [sflag:s4] =	dma.local [hbm:s3], $0xF7A  }
0x26: {  	[smem:$0x3F9E] =	sst s1;
	(tag) =	ssettag s2;
	_ =	strace s9  }
0x27: {  	s1 =	sld [smem:$0x3FAE]  }
0x28: {  	s2 =	sld [smem:$0x3FAF]  }
0x29: {  	s4 =	sld [smem:$0x3FB1]  }
0x2a: {  	p0 =	seq.s32 s5, $0x0;
	s5 =	sld [smem:$0x3FB2]  }
0x2b: {  	s6 =	sld [smem:$0x3FB3]  }
0x2c: {  	s7 =	sld [smem:$0x3FB4]  }
0x2d: {  	s3 =	simm.s32 $0x108;
	s8 =	sld [smem:$0x3FB5]  }
0x2e: {  	s3 =	simm.s32 @!p0 $0x1082;
	s9 =	sld [smem:$0x3FB6]  }
0x2f: {  	lr =	sadd.s32 s0, s3;
	s0 =	sld [smem:$0x3FAD]  }
0x30: {  	s3 =	sld [smem:$0x3FB0]  }
0x31: {  	[smem:$0x3FB9] =	sst s10  }
0x32: {  	s10 =	sld [smem:$0x3FB7];
	_ =	sdelay $0x3  }
0x33: {  	p0 =	seq.s32 s10, $0x1;
	s10 =	sld [smem:$0x3FB9];
	_ =	sdelay $0x3  }
0x34: {  	[smem:$0x3FB9] =	sst s10  }
0x35: {  	s10 =	sld [smem:$0x3FB8];
	_ =	sdelay $0x3  }
0x36: {  	p1 =	seq.s32 s10, $0x1;
	s10 =	sld [smem:$0x3FB9];
	_ =	sdelay $0x3  }
0x37: {  	[smem:$0x3FB9] =	sst s10  }
0x38: {  	s10 =	sld [smem:$0x3FBA]  }
0x39: {  	_ = 	snop;
	(pc) =	sbr.ind lr, $3  }
0x3a: {  	_ = 	snop  }
0x3b: {  	_ = 	snop  }
0x3c: {  	p2 =	seq.s32 s10, $0x1;
	s10 =	sld [smem:$0x3FB9]  }
0x3d: {  	_ =	shalt  }
0x3e: {  	_ =	shalt  }
0x3f: {  	_ =	shalt  }
0x40: {  	_ =	shalt  }
0x41: {  	_ =	shalt  }
0x42: {  	_ =	shalt  }
0x43: {  	_ =	shalt  }
0x44: {  	_ =	shalt  }
0x45: {  	_ =	shalt  }
0x46: {  	_ =	shalt  }
0x47: {  	_ =	shalt  }
0x48: {  	_ =	shalt  }
0x49: {  	_ =	shalt  }
0x4a: {  	_ =	shalt  }
0x4b: {  	_ =	shalt  }
0x4c: {  	_ =	shalt  }
0x4d: {  	_ =	shalt  }
0x4e: {  	_ =	shalt  }
0x4f: {  	_ =	shalt  }
0x50: {  	_ =	shalt  }
0x51: {  	_ =	shalt  }
0x52: {  	_ =	shalt  }
0x53: {  	_ =	shalt  }
0x54: {  	_ =	shalt  }
0x55: {  	_ =	shalt  }
0x56: {  	_ =	shalt  }
0x57: {  	_ =	shalt  }
0x58: {  	_ =	shalt  }
0x59: {  	_ =	shalt  }
0x5a: {  	_ =	shalt  }
0x5b: {  	_ =	shalt  }
0x5c: {  	_ =	shalt  }
0x5d: {  	_ =	shalt  }
0x5e: {  	_ =	shalt  }
0x5f: {  	_ =	shalt  }
0x60: {  	_ =	shalt  }
0x61: {  	_ =	shalt  }
0x62: {  	_ =	shalt  }
0x63: {  	_ =	shalt  }
0x64: {  	_ =	shalt  }
0x65: {  	_ =	shalt  }
0x66: {  	_ =	shalt  }
0x67: {  	_ =	shalt  }
0x68: {  	_ =	shalt  }
0x69: {  	_ =	shalt  }
0x6a: {  	_ =	shalt  }
0x6b: {  	_ =	shalt  }
0x6c: {  	_ =	shalt  }
0x6d: {  	_ =	shalt  }
0x6e: {  	_ =	shalt  }
0x6f: {  	_ =	shalt  }
0x70: {  	_ =	shalt  }
0x71: {  	_ =	shalt  }
0x72: {  	_ =	shalt  }
0x73: {  	_ =	shalt  }
0x74: {  	_ =	shalt  }
0x75: {  	_ =	shalt  }
0x76: {  	_ =	shalt  }
0x77: {  	_ =	shalt  }
0x78: {  	_ =	shalt  }
0x79: {  	_ =	shalt  }
0x7a: {  	_ =	shalt  }
0x7b: {  	_ =	shalt  }
0x7c: {  	_ =	shalt  }
0x7d: {  	_ =	shalt  }
0x7e: {  	_ =	shalt  }
0x7f: {  	_ =	shalt  }
0x80: {  	_ =	shalt  }
0x81: {  	_ =	shalt  }
0x82: {  	_ =	shalt  }
0x83: {  	_ =	shalt  }
0x84: {  	_ =	shalt  }
0x85: {  	_ =	shalt  }
0x86: {  	_ =	shalt  }
0x87: {  	_ =	shalt  }
.Lfunc_end0:
.L_simem_size_0:
called_computation_lowered:
.L_overlay_start_0:
0x88: {  	s2 =	sld [smem:$0x3FD9]  }
0x89: {  	s3 =	sld [smem:$0x3FFE];
	_ =	sdelay $0x1  }
0x8a: {  	s1 =	srdreg.scid  }
0x8b: {  	s0 =	sand.u32 $0x1, s1  }
0x8c: {  	s14 =	sshll.u32 s0, $0xA;
	s2 =	sadd.s32 s3, s2  }
0x8d: {  	s2 =	sadd.s32 s2, s14  }
0x8e: {  	[smem:$0x3FC5] =	sst s2  }
0x8f: {  	_ = 	snop  }
0x90: {  	s2 =	sld [smem:$0x3FD0];
	_ =	sdelay $0x2  }
0x91: {  	s15 =	simm.s32 $0xA;
	s4 =	simm.s32 $0x10  }
0x92: {  	[smem:s4], [sflag:s15] =	dma.local [hbm:s2], $0x1  }
0x93: {  	_ =	swait.eq [sflag:s15], $0x1  }
0x94: {  	[sflag:s15] =	ssyncset.done $0x0  }
0x95: {  	s16 =	sld [smem:$0x10];
	[sflag:s15] =	ssyncadd.s32 $0xFFFFFFFF  }
0x96: {  	s17 =	sld [smem:$0x11];
	(tm) =	ssettm $0x1  }
0x97: {  	s18 =	sld [smem:$0x3FFB];
	_ =	sdelay $0x3  }
0x98: {  	_ =	strace s18  }
0x99: {  	s4 =	sld [smem:$0x3FFC];
	_ =	sdelay $0x3  }
0x9a: {  	_ =	strace s4  }
0x9b: {  	s4 =	sld [smem:$0x3FFD];
	_ =	sdelay $0x3  }
0x9c: {  	_ =	strace s4  }
0x9d: {  	_ =	strace $0x8FFFFFFF  }
0x9e: {  	s19 =	sld [smem:$0x3FDB];
	_ =	sdelay $0x1  }
0x9f: {  	s5 =	simm.s32 $_scs_section_size  }
0xa0: {  	s6 =	simm.s32 $_size__tile_overlayer_lowered;
	s7 =	simm.s32 $_tile_overlayer_lowered  }
0xa1: {  	s22 =	simm.s32 $0x1BFF;
	s21 =	sshll.u32 s7, $0x1;
	s4 =	sadd.s32 s5, s19  }
0xa2: {  	s8 =	simm.s32 $0x0;
	s20 =	sshll.u32 s6, $0x1;
	s6 =	sadd.s32 s21, s4  }
0xa3: {  	[timem:s8], [sflag:s22] =	dma.local [hbm:s6], s20  }
0xa4: {  	_ =	swait.ge [sflag:s22], s20  }
0xa5: {  	s5 =	ssub.s32 $0x0, s20;
	[sflag:s22] =	ssyncset.done $0x0  }
0xa6: {  	[sflag:s22] =	ssyncadd.s32 s5;
	_ =	sdelay $0x1  }
0xa7: {  	s23 =	simm.s32 $0x1B8B  }
0xa8: {  	_ =	swait.ge [sflag:s23], $0x1  }
0xa9: {  	[sflag:s23] =	ssyncset.done $0x0  }
0xaa: {  	s25 =	simm.s32 $0x1B8E;
	s24 =	sld [smem:$0x3FFE];
	[sflag:s23] =	ssyncadd.s32 $0xFFFFFFFF  }
0xab: {  	s26 =	simm.s32 $execute0_lowered;
	[smem:$0x3FD2] =	sst s25  }
0xac: {  	s6 =	sshll.u32 s26, $0x1;
	_ =	strace $0x80000046;
	[dreg:$0x1] =	wrdreg $0xFFFFFFFF  }
0xad: {  	s28 =	simm.s32 $_size_execute0_lowered;
	s4 =	sadd.s32 s4, s6;
	[dreg:$0x0] =	wrdreg $0x0  }
0xae: {  	s6 =	sshll.u32 s28, $0x1;
	[dreg:$0x2] =	wrdreg s4  }
0xaf: {  	[dreg:$0x3] =	wrdreg s6  }
0xb0: {  	[dreg:$0x4] =	wrdreg $0xC0  }
0xb1: {  	_ =	task [dreg:s8], $0x5FFFF  }
0xb2: {  	[dreg:$0x1] =	wrdreg $0xFFFFFFFF  }
0xb3: {  	[dreg:$0x0] =	wrdreg $0x60  }
0xb4: {  	[dreg:$0x2] =	wrdreg s24  }
0xb5: {  	[dreg:$0x3] =	wrdreg s16  }
0xb6: {  	[dreg:$0x4] =	wrdreg s17  }
0xb7: {  	[dreg:$0x5] =	wrdreg $0x9  }
0xb8: {  	_ =	task.clear_ibuf [dreg:s8], $0x6FFFF;
	_ =	strace $0x90000046  }
0xb9: {  	s29 =	simm.s32 $0x9;
	_ =	strace $0x80000048  }
0xba: {  	_ =	swait.ge [sflag:s29], $0x1  }
0xbb: {  	[sflag:s29] =	ssyncadd.s32 $0xFFFFFFFF  }
0xbc: {  	_ =	strace $0x90000048  }
0xbd: {  	_ =	sfence  }
0xbe: {  	s30 =	sld [smem:$0x0];
	_ =	sdelay $0x2  }
0xbf: {  	s31 =	sshll.u32 s1, $0xD;
	s1 =	sshrl.u32 s1, $0x2  }
0xc0: {  	s3 =	sand.u32 $0x4000, s31;
	s1 =	sadd.s32 s1, s30  }
0xc1: {  	s0 =	sor.u32 s3, s0;
	s1 =	sshll.u32 s1, $0x11  }
0xc2: {  	s0 =	sor.u32 s1, s0  }
0xc3: {  	s0 =	sadd.s32 $0x8F2B, s0  }
0xc4: {  	[sflag:s0] =	ssyncadd.remote.s32 $0x1  }
0xc5: {  	_ =	sfence.sel $0xFFFF  }
0xc6: {  	[dreg:$0x0] =	wrdreg $0xFFFFFFFF;
	(pc) =	sbr.abs _section_cstart, $3  }
0xc7: {  	[dreg:$0x1] =	wrdreg $0xFFFFFFFF  }
0xc8: {  	_ =	task.clear_ibuf [dreg:s8], $0x2FFFF;
	_ =	strace $0x9FFFFFFF  }
0xc9: {  	(tm) =	ssettm $0x7FFFFFFF  }
tec
execute0_lowered:
.L_overlay_start_1:
0x0: {  	(tag) =	ssettag $0x1  }
0x1: {  	s3 =	rddreg [dreg:$0x0]  }
0x2: {  	s5 =	rddreg [dreg:$0x1]  }
0x3: {  	s6 =	rddreg [dreg:$0x2];
	s2 =	srdreg.scid  }
0x4: {  	s0 =	rddreg [dreg:$0x3];
	s1 =	stileid.u32;
	s10 =	simm.s32 $0x2  }
0x5: {  	s11 =	simm.s32 $0x1000;
	s12 =	simm.s32 $0x3;
	s13 =	simm.s32 $0x1400  }
0x6: {  	s14 =	simm.s32 $0x0;
	s4 =	sand.u32 $0x1, s2;
	s2 =	simm.s32 $0x0  }
0x7: {  	s7 =	sshll.u32 s1, $0xA;
	s8 =	sshll.u32 s4, $0x9;
	[smem:$0x7FF] =	sst s2  }
0x8: {  	s4 =	ssub.s32 $0x2, s4;
	s7 =	sor.u32 s8, s7;
	_ =	strace $0x80000047  }
0x9: {  	s9 =	sshrl.u32 s4, $0x1;
	s8 =	sshrl.u32 s7, $0x1;
	s7 =	sshrl.u32 s7, $0x2  }
0xa: {  	s9 =	ssub.s32 s4, s9;
	s8 =	sadd.s32 s8, s3;
	s5 =	sadd.s32 s5, s7  }
0xb: {  	s6 =	sadd.s32 s6, s7;
	s7 =	smax.u32 s9, $0x1;
	s9 =	simm.s32 $0x1  }
0xc: {  	s3 =	sadd.s32 $0xE00, s8;
	s4 =	sadd.s32 $0x2E00, s8;
	s8 =	simm.s32 $0x800  }
.LBB2_1:
0xd: {  	[tilespmem:s2], [sflag:$0x1] =	stream.linear.gather [hbm4b:s3+s2], $0x800, $0x38;
	[tilespmem:$0x1800] =	vst v63  }
0xe: {  	_ = 	snop  }
0xf: {  	[tilespmem:s8], [sflag:$0x2] =	stream.linear.gather [hbm4b:s4+s2], $0x800, $0x38;
	[tilespmem:$0x1800] =	vst v63  }
0x10: {  	_ =	swait.ge [sflag:s9], $0x800  }
0x11: {  	[sflag:s9] =	ssyncset.done $0x0  }
0x12: {  	[sflag:s9] =	ssyncadd.s32 $0xFFFFF800  }
0x13: {  	_ =	swait.ge [sflag:s10], $0x800  }
0x14: {  	s16 =	sand.u32 $0x70, s2;
	s15 =	simm.s32 $0x0;
	[sflag:s10] =	ssyncset.done $0x0  }
0x15: {  	s17 =	sor.u32 s16, s15;
	[sflag:s10] =	ssyncadd.s32 $0xFFFFF800  }
0x16: {  	s15 =	sor.u32 s15, s2;
	v3 =	vld [tilespmem:s17+$0x100]  }
0x17: {  	s15 =	sor.u32 $0x180, s15;
	v4 =	vld [tilespmem:s17+$0x0]  }
0x18: {  	v5 =	vld [tilespmem:s15+$0x0]  }
0x19: {  	v6 =	vld [tilespmem:s17+$0x80]  }
0x1a: {  	v0 =	vld [tilespmem:s17+$0x880]  }
0x1b: {  	v1 =	vld [tilespmem:s17+$0x800];
	_ =	sdelay $0x2  }
0x1c: {  	s18 =	simm.s32 $0x0;
	vm0 =	vgt.f32 v6, v4  }
0x1d: {  	s19 =	simm.s32 $0x2;
	s20 =	simm.s32 $0x10;
	s22 =	simm.s32 $0x0;
	v7 =	vsel vm0, v4, v3;
	v5 =	vsel vm0, v5, v6  }
0x1e: {  	s23 =	sor.u32 s22, s20;
	s21 =	sor.u32 s16, s18;
	v2 =	vld [tilespmem:s15+$0x800];
	s15 =	sand.u32 $0x70, s20;
	v8 =	vsel vm0, v0, v1;
	vm1 =	vgt.f32 v5, v7  }
0x1f: {  	s16 =	simm.s32 $0x0;
	s18 =	sor.u32 s15, s22;
	v3 =	vld [tilespmem:s17+$0x900];
	v4 =	vsel vm0, v6, v4;
	s17 =	sor.u32 $0x180, s23;
	[tilespmem:s21+$0x1400] =	vst v8;
	v5 =	vsel vm1, v5, v7  }
.LBB2_2:
0x20: {  	p0 =	sne.s32 s19, $0x1F  }
0x21: {  	s20 =	sadd.s32 $0x10, s20;
	v4 =	vsub.f32 v5, v4;
	s22 =	smov.u32 s19;
	s19 =	sadd.s32 $0x1, s19  }
0x22: {  	s23 =	sshrl.u32 s22, $0x3  }
0x23: {  	s22 =	sand.u32 $0x70, s20;
	s25 =	sshll.u32 s23, $0x9;
	s24 =	sshll.u32 s23, $0x8;
	v4 =	vmul.f32 $1.442695020e+00, v4  }
0x24: {  	s23 =	sor.u32 s22, s25;
	s25 =	sor.u32 s25, s20  }
0x25: {  	s25 =	sor.u32 $0x180, s25;
	(erf) = vpow2.f32 v4;
	_ =	sdelay $0x8  }
0x26: {  	v4 =	vpop (erf)  }
0x27: {  	v5 =	vadd.f32 $1.000000000e+00, v4;
	_ =	sdelay $0x1  }
0x28: {  	(erf) = vrcp.f32 v5;
	_ =	sdelay $0x6  }
0x29: {  	v2 =	vsel vm0, v2, v0;
	v1 =	vsel vm0, v1, v3  }
0x2a: {  	v1 =	vsel vm1, v2, v1  }
0x2b: {  	[tilespmem:s21+$0x1480] =	vst v1;
	v0 =	vpop (erf)  }
0x2c: {  	[tilespmem:s21+$0x1000] =	vst v0;
	v0 =	vmul.f32 v0, v4;
	_ =	sdelay $0x1  }
0x2d: {  	[tilespmem:s21+$0x1080] =	vst v0  }
0x2e: {  	v3 =	vld [tilespmem:s18+$0x100]  }
0x2f: {  	v5 =	vld [tilespmem:s18+$0x0]  }
0x30: {  	v6 =	vld [tilespmem:s17+$0x0]  }
0x31: {  	v7 =	vld [tilespmem:s18+$0x80]  }
0x32: {  	v0 =	vld [tilespmem:s18+$0x880]  }
0x33: {  	v1 =	vld [tilespmem:s18+$0x800];
	_ =	sdelay $0x1  }
.Ltmp0:
0x34: {  	(pc) =	sbr.rel @p0 .LBB2_2-.Ltmp0, $4  }
0x35: {  	vm0 =	vgt.f32 v7, v5  }
0x36: {  	v2 =	vld [tilespmem:s17+$0x800];
	v4 =	vsel vm0, v7, v5;
	v5 =	vsel vm0, v5, v3;
	v6 =	vsel vm0, v6, v7;
	s17 =	smov.u32 s25  }
0x37: {  	s21 =	sor.u32 s15, s16;
	s15 =	smov.u32 s22;
	s16 =	smov.u32 s24;
	v3 =	vld [tilespmem:s18+$0x900];
	v7 =	vsel vm0, v0, v1;
	vm1 =	vgt.f32 v6, v5  }
0x38: {  	s18 =	smov.u32 s23;
	v5 =	vsel vm1, v6, v5;
	[tilespmem:s21+$0x1400] =	vst v7  }
0x39: {  	v4 =	vsub.f32 v5, v4;
	_ =	sdelay $0x1  }
0x3a: {  	v4 =	vmul.f32 $1.442695020e+00, v4;
	_ =	sdelay $0x1  }
0x3b: {  	(erf) = vpow2.f32 v4;
	_ =	sdelay $0x8  }
0x3c: {  	v4 =	vpop (erf)  }
0x3d: {  	v52 =	vadd.f32 $1.000000000e+00, v4;
	_ =	sdelay $0x1  }
0x3e: {  	(erf) = vrcp.f32 v52;
	_ =	sdelay $0x7  }
0x3f: {  	v0 =	vsel vm0, v2, v0;
	v1 =	vsel vm0, v1, v3  }
0x40: {  	v0 =	vsel vm1, v0, v1;
	v53 =	vpop (erf)  }
0x41: {  	[tilespmem:s21+$0x1480] =	vst v0;
	v54 =	vmul.f32 v53, v4  }
0x42: {  	[tilespmem:s21+$0x1000] =	vst v53  }
0x43: {  	[tilespmem:s21+$0x1080] =	vst v54  }
0x44: {  	v0 =	vld [tilespmem:s18+$0x100]  }
0x45: {  	v1 =	vld [tilespmem:s18+$0x0]  }
0x46: {  	v55 =	vld [tilespmem:s18+$0x80]  }
0x47: {  	v56 =	vld [tilespmem:s17+$0x0];
	_ =	sdelay $0x3  }
0x48: {  	vm14 =	vgt.f32 v55, v1  }
0x49: {  	v0 =	vsel vm14, v1, v0;
	v3 =	vsel vm14, v56, v55  }
0x4a: {  	vm15 =	vgt.f32 v3, v0  }
0x4b: {  	v1 =	vsel vm14, v55, v1;
	v0 =	vsel vm15, v3, v0  }
0x4c: {  	v0 =	vsub.f32 v0, v1;
	_ =	sdelay $0x1  }
0x4d: {  	v0 =	vmul.f32 $1.442695020e+00, v0;
	_ =	sdelay $0x1  }
0x4e: {  	(erf) = vpow2.f32 v0;
	_ =	sdelay $0x8  }
0x4f: {  	v0 =	vpop (erf)  }
0x50: {  	v57 =	vadd.f32 $1.000000000e+00, v0;
	_ =	sdelay $0x1  }
0x51: {  	v58 =	vld [tilespmem:s18+$0x880];
	(erf) = vrcp.f32 v57  }
0x52: {  	v59 =	vld [tilespmem:s18+$0x800]  }
0x53: {  	v60 =	vld [tilespmem:s17+$0x800]  }
0x54: {  	v61 =	vld [tilespmem:s18+$0x900];
	_ =	sdelay $0x4  }
0x55: {  	s15 =	sor.u32 s15, s16;
	v62 =	vsel vm14, v58, v59;
	v2 =	vsel vm14, v60, v58;
	v1 =	vsel vm14, v59, v61  }
0x56: {  	[tilespmem:s15+$0x1400] =	vst v62;
	v1 =	vsel vm15, v2, v1;
	v63 =	vpop (erf)  }
0x57: {  	[tilespmem:s15+$0x1480] =	vst v1;
	v0 =	vmul.f32 v63, v0  }
0x58: {  	[tilespmem:s15+$0x1000] =	vst v63  }
0x59: {  	[tilespmem:s15+$0x1080] =	vst v0  }
0x5a: {  	[hbm4b:s5+s2] =	stream.linear.scatter [tilespmem:s11], [sflag:$0x3], $0x400, $0x38;
	[tilespmem:$0x1800] =	vst v63  }
0x5b: {  	s14 =	sadd.s32 $0x1, s14;
	_ =	swait.ge [sflag:s12], $0x400  }
0x5c: {  	p0 =	sne.s32 s14, s7;
	[sflag:s12] =	ssyncset.done $0x0  }
.Ltmp1:
0x5d: {  	[sflag:s12] =	ssyncadd.s32 $0xFFFFFC00;
	(pc) =	sbr.rel @p0 .LBB2_1-.Ltmp1, $4  }
0x5e: {  	[hbm4b:s6+s2] =	stream.linear.scatter [tilespmem:s13], [sflag:$0x3], $0x400, $0x38;
	[tilespmem:$0x1800] =	vst v63  }
0x5f: {  	_ =	swait.ge [sflag:s12], $0x400  }
0x60: {  	[sflag:s12] =	ssyncset.done $0x0  }
0x61: {  	[sflag:s12] =	ssyncadd.s32 $0xFFFFFC00  }
0x62: {  	_ =	sfence.sel $0x180000  }
0x63: {  	[bflag:$0x0] =	sbarrier.arrive $0xFFFF  }
0x64: {  	p0 =	sne.s32 s1, $0x0;
	_ =	strace $0x90000047  }
0x65: {  	s0 =	sadd.s32 @!p0 $0x100000, s0;
	[bflag:$0x2] =	sbarrier.arrive $0xFFFF  }
0x66: {  	[sflag:s0] =	ssyncadd.tile.s32 @!p0 $0x1;
	_ =	shalt  }
.Lfunc_end2:
_tile_overlayer_lowered:
.L_overlay_start_2:
0x67: {  	(tag) =	ssettag $0x2  }
0x68: {  	s0 =	rddreg [dreg:$0x0];
	s2 =	stileid.u32  }
0x69: {  	s1 =	rddreg [dreg:$0x1];
	p0 =	sne.s32 s2, $0x0  }
0x6a: {  	s3 =	rddreg [dreg:$0x2];
	[bflag:$0x3] =	sbarrier.arrive $0xFFFF;
	s2 =	simm.s32 @!p0 $0x1C03  }
0x6b: {  	[timem:s3], [sflag:s2] =	dma.local @!p0 [hbm:s0], s1  }
0x6c: {  	s0 =	simm.s32 @!p0 $0x3  }
0x6d: {  	_ =	swait.ge @!p0 [sflag:s0], s1  }
0x6e: {  	s1 =	ssub.s32 @!p0 $0x0, s1;
	[sflag:s0] =	ssyncset.done @!p0 $0x0  }
0x6f: {  	[sflag:s0] =	ssyncadd.s32 @!p0 s1  }
0x70: {  	[bflag:$0x3] =	sbarrier.arrive $0xFFFF  }
0x71: {  	_ =	shalt  }

</sc_bundles>
